<compile_context>
chip_gen: v7x
topology: tpu7x:2x2x1
jax: 0.10.2.dev20260603
libtpu: 0.0.44.dev20260713+nightly
codegen_flags: <defaults>
</compile_context>

<pallas_src>
import jax
import jax.numpy as jnp
from jax import lax
from jax.experimental import pallas as pl
from jax.experimental.pallas import tpu as pltpu
from jax.experimental.pallas import tpu_sc as plsc

_K = 1024


def _argmin_body(x_ref, cb1_ref, bsq_ref, idx_ref):
    hw = x_ref.shape[2]
    ab = jax.lax.dot_general(cb1_ref[...], x_ref[0], (((1,), (0,)), ((), ())),
                             preferred_element_type=jnp.float32)
    score = ab + bsq_ref[...]
    mins = jnp.min(score, axis=0, keepdims=True)
    kio = jax.lax.broadcasted_iota(jnp.int32, (_K, hw), 0)
    cand = jnp.where(score == mins, kio, _K)
    idx_ref[0, 0, :] = jnp.min(cand, axis=0)


def _tc_argmin(x, cb1, b_sq):
    b_s, c, hw = x.shape
    return pl.pallas_call(
        _argmin_body,
        grid=(b_s,),
        in_specs=[
            pl.BlockSpec((1, c, hw), lambda b: (b, 0, 0)),
            pl.BlockSpec((_K, c), lambda b: (0, 0)),
            pl.BlockSpec((_K, 1), lambda b: (0, 0)),
        ],
        out_specs=pl.BlockSpec((1, 1, hw), lambda b: (b, 0, 0)),
        out_shape=jax.ShapeDtypeStruct((b_s, 1, hw), jnp.int32),
    )(x, cb1, b_sq)


def _sc_gather(codebook, idx_flat):
    n_tok = idx_flat.shape[0]
    d = codebook.shape[1]
    info = plsc.get_sparse_core_info()
    nw = info.num_cores * info.num_subcores
    per_w = n_tok // nw
    mesh = plsc.VectorSubcoreMesh(core_axis_name="c", subcore_axis_name="s")

    chunk = 256
    n_chunks = per_w // chunk

    def body(table_hbm, idx_hbm, out_hbm, idx_v, rows0, rows1, gsem, ssem):
        wid = lax.axis_index("s") * info.num_cores + lax.axis_index("c")
        base = wid * per_w
        pltpu.sync_copy(idx_hbm.at[pl.ds(base, per_w)], idx_v)
        bufs = (rows0, rows1)
        copies = [pltpu.async_copy(table_hbm.at[idx_v.at[pl.ds(0, chunk)]],
                                   rows0, gsem)]
        stores = []
        for j in range(n_chunks):
            copies[j].wait()
            stores.append(pltpu.async_copy(
                bufs[j % 2], out_hbm.at[pl.ds(base + j * chunk, chunk)], ssem))
            if j + 1 < n_chunks:
                if j >= 1:
                    stores[j - 1].wait()
                copies.append(pltpu.async_copy(
                    table_hbm.at[idx_v.at[pl.ds((j + 1) * chunk, chunk)]],
                    bufs[(j + 1) % 2], gsem))
        stores[-2].wait()
        stores[-1].wait()

    return pl.kernel(
        body,
        mesh=mesh,
        out_type=jax.ShapeDtypeStruct((n_tok, d), jnp.float32),
        scratch_types=[
            pltpu.VMEM((per_w,), jnp.int32),
            pltpu.VMEM((chunk, d), jnp.float32),
            pltpu.VMEM((chunk, d), jnp.float32),
            pltpu.SemaphoreType.DMA,
            pltpu.SemaphoreType.DMA,
        ],
    )(codebook, idx_flat)


def kernel(laten, codebook):
    b_s, c, h, w = laten.shape
    hw = h * w
    x = laten.reshape(b_s, c, hw)
    b_sq = jnp.sum(codebook * codebook, axis=1, keepdims=True)
    cb1 = -2.0 * codebook
    idx3 = _tc_argmin(x, cb1, b_sq)
    cb_pad = jnp.pad(codebook, ((0, 0), (0, 128 - c)))
    rows = _sc_gather(cb_pad, idx3.reshape(-1))
    quant = rows[:, :c].reshape(b_s, h, w, c).transpose(0, 3, 1, 2)
    return idx3.reshape(b_s, h, w), quant

# --- scband reference (transcript-rebuilt; emitter-appended) ---
"""Pipeline reference for scband-vqvae-70360154243133 (READ-ONLY COPY).

The authoritative reference and input builder live on the scoring server;
editing this copy changes nothing except your own understanding.
"""

import jax, jax.numpy as jnp
import numpy as np

CODEBOOK_SIZE = 1024
LATEN_DIM = 64

def setup_inputs(seed: int = 0) -> dict:
    key = jax.random.key(seed)
    k1, k2 = jax.random.split(key)
    laten = jax.random.normal(k1, (32, LATEN_DIM, 32, 32), dtype=jnp.float32)
    # nn.Embedding default init: N(0, 1)
    codebook = jax.random.normal(k2, (CODEBOOK_SIZE, LATEN_DIM), dtype=jnp.float32)
    return {"laten": laten, "codebook": codebook}

def reference(laten, codebook):
    # Faithful translation of VQVAE.quant_laten
    b_s, c, laten_h, laten_w = laten.shape
    # rearrange 'b c h w -> (b h w) c'
    laten_reshaped = jnp.transpose(laten, (0, 2, 3, 1)).reshape(-1, c)
    # l2_distance = mean((a - b)^2, -1) computed via the expanded form to avoid
    # materializing the [N, K, C] intermediate; identical math up to fp rounding:
    # mean((a-b)^2) = (|a|^2 - 2 a.b + |b|^2) / C
    a_sq = jnp.sum(laten_reshaped ** 2, axis=-1, keepdims=True)          # [N, 1]
    b_sq = jnp.sum(codebook ** 2, axis=-1)[None, :]                      # [1, K]
    ab = laten_reshaped @ codebook.T                                     # [N, K]
    l2_distance = (a_sq - 2.0 * ab + b_sq) / c
    closest_idx_flatten = jnp.argmin(l2_distance, axis=-1)
    closest_idx_2d = closest_idx_flatten.reshape(b_s, laten_h, laten_w)
    # codebook lookup (embedding gather) then permute(0, 3, 1, 2)
    quant = jnp.take(codebook, closest_idx_2d, axis=0)                   # [B, H, W, C]
    quant_laten = jnp.transpose(quant, (0, 3, 1, 2))                     # [B, C, H, W]
    return (closest_idx_2d, quant_laten)

if __name__ == "__main__":
    import jax
    _d = setup_inputs()
    print(jax.jit(kernel)(*tuple(_d.values())))

</pallas_src>

<mosaic_0001>
#map = affine_map<(d0, d1) -> (0, 0)>
#map1 = affine_map<(d0, d1) -> (0)>
module attributes {stable_mosaic.version = 14 : i64} {
  func.func @body(%arg0: i32, %arg1: i32, %arg2: memref<1024x128xf32, #tpu.memory_space<hbm>>, %arg3: memref<32768xi32, #tpu.memory_space<hbm>>, %arg4: memref<32768x128xf32, #tpu.memory_space<hbm>>, %arg5: memref<1024xi32, #tpu.memory_space<vmem>>, %arg6: memref<256x128xf32, #tpu.memory_space<vmem>>, %arg7: memref<256x128xf32, #tpu.memory_space<vmem>>, %arg8: memref<!tpu.dma_semaphore, #tpu.memory_space<semaphore_mem>>, %arg9: memref<!tpu.dma_semaphore, #tpu.memory_space<semaphore_mem>>) attributes {dimension_semantics = [#tpu.dimension_semantics<core_parallel>, #tpu.dimension_semantics<subcore_parallel>], iteration_bounds = array<i64: 2, 16>, scalar_prefetch = 0 : i64, scratch_operands = 5 : i64, tpu.core_type = #tpu.core_type<sc_vector_subcore>, window_params = [{transform_indices = #map}, {transform_indices = #map1}, {transform_indices = #map}]} {
    %mul3A = arith.constant 2 : i32
    %mul3A_0 = arith.muli %arg1, %mul3A : i32
    %add3A = arith.addi %mul3A_0, %arg0 : i32
    %mul3A_1 = arith.constant 1024 : i32
    %mul3A_2 = arith.muli %add3A, %mul3A_1 : i32
    "tpu.region"() ({
      %run_scoped3A = tpu.sem_alloc : memref<!tpu.dma_semaphore, #tpu.memory_space<semaphore_mem>>
      %dma_start3A_81 = tpu.memref_slice %arg3[%mul3A_2] : memref<32768xi32, #tpu.memory_space<hbm>> -> memref<1024xi32, #tpu.memory_space<hbm>>
      %dma_start3A_82 = tpu.memref_slice %arg3[%mul3A_2] : memref<32768xi32, #tpu.memory_space<hbm>> -> memref<1024xi32, #tpu.memory_space<hbm>>
      tpu.enqueue_dma source(%dma_start3A_82 : memref<1024xi32, #tpu.memory_space<hbm>>) target(%arg5 : memref<1024xi32, #tpu.memory_space<vmem>>) target_semaphore(%run_scoped3A : memref<!tpu.dma_semaphore, #tpu.memory_space<semaphore_mem>>)
      %dma_wait3A_83 = tpu.memref_slice %arg3[%mul3A_2] : memref<32768xi32, #tpu.memory_space<hbm>> -> memref<1024xi32, #tpu.memory_space<hbm>>
      %dma_wait3A_84 = tpu.memref_slice %arg3[%mul3A_2] : memref<32768xi32, #tpu.memory_space<hbm>> -> memref<1024xi32, #tpu.memory_space<hbm>>
      tpu.wait_dma2 semaphore(%run_scoped3A : memref<!tpu.dma_semaphore, #tpu.memory_space<semaphore_mem>>) src(%dma_wait3A_84 : memref<1024xi32, #tpu.memory_space<hbm>>) dst(%arg5 : memref<1024xi32, #tpu.memory_space<vmem>>)
      tpu.yield
    }) : () -> ()
    %dma_start3A = arith.constant 0 : i32
    %dma_start3A_3 = tpu.memref_slice %arg5[%dma_start3A] : memref<1024xi32, #tpu.memory_space<vmem>> -> memref<256xi32, #tpu.memory_space<vmem>>
    %dma_start3A_4 = arith.constant 0 : i32
    %dma_start3A_5 = arith.constant 0 : i32
    %dma_start3A_6 = tpu.memref_slice %arg2[%dma_start3A_4, %dma_start3A_5] : memref<1024x128xf32, #tpu.memory_space<hbm>> -> memref<1024x128xf32, #tpu.memory_space<hbm>>
    tpu.enqueue_indirect_dma source(%dma_start3A_6 : memref<1024x128xf32, #tpu.memory_space<hbm>>) target(%arg6 : memref<256x128xf32, #tpu.memory_space<vmem>>) offsets(%dma_start3A_3 : memref<256xi32, #tpu.memory_space<vmem>>) semaphore(%arg8 : memref<!tpu.dma_semaphore, #tpu.memory_space<semaphore_mem>>)
    %dma_wait3A = arith.constant 0 : i32
    %dma_wait3A_7 = tpu.memref_slice %arg5[%dma_wait3A] : memref<1024xi32, #tpu.memory_space<vmem>> -> memref<256xi32, #tpu.memory_space<vmem>>
    %dma_wait3A_8 = arith.constant 0 : i32
    %dma_wait3A_9 = arith.constant 0 : i32
    %dma_wait3A_10 = tpu.memref_slice %arg2[%dma_wait3A_8, %dma_wait3A_9] : memref<1024x128xf32, #tpu.memory_space<hbm>> -> memref<1024x128xf32, #tpu.memory_space<hbm>>
    tpu.wait_indirect_dma semaphore(%arg8 : memref<!tpu.dma_semaphore, #tpu.memory_space<semaphore_mem>>) src(%dma_wait3A_10 : memref<1024x128xf32, #tpu.memory_space<hbm>>) dst(%arg6 : memref<256x128xf32, #tpu.memory_space<vmem>>)
    %add3A_11 = arith.constant 0 : i32
    %add3A_12 = arith.addi %mul3A_2, %add3A_11 : i32
    %dma_start3A_13 = arith.constant 0 : i32
    %dma_start3A_14 = tpu.memref_slice %arg4[%add3A_12, %dma_start3A_13] : memref<32768x128xf32, #tpu.memory_space<hbm>> -> memref<256x128xf32, #tpu.memory_space<hbm>>
    %dma_start3A_15 = arith.constant 0 : i32
    %dma_start3A_16 = tpu.memref_slice %arg4[%add3A_12, %dma_start3A_15] : memref<32768x128xf32, #tpu.memory_space<hbm>> -> memref<256x128xf32, #tpu.memory_space<hbm>>
    tpu.enqueue_dma source(%arg6 : memref<256x128xf32, #tpu.memory_space<vmem>>) target(%dma_start3A_16 : memref<256x128xf32, #tpu.memory_space<hbm>>) target_semaphore(%arg9 : memref<!tpu.dma_semaphore, #tpu.memory_space<semaphore_mem>>)
    %dma_start3A_17 = arith.constant 256 : i32
    %dma_start3A_18 = tpu.memref_slice %arg5[%dma_start3A_17] : memref<1024xi32, #tpu.memory_space<vmem>> -> memref<256xi32, #tpu.memory_space<vmem>>
    %dma_start3A_19 = arith.constant 0 : i32
    %dma_start3A_20 = arith.constant 0 : i32
    %dma_start3A_21 = tpu.memref_slice %arg2[%dma_start3A_19, %dma_start3A_20] : memref<1024x128xf32, #tpu.memory_space<hbm>> -> memref<1024x128xf32, #tpu.memory_space<hbm>>
    tpu.enqueue_indirect_dma source(%dma_start3A_21 : memref<1024x128xf32, #tpu.memory_space<hbm>>) target(%arg7 : memref<256x128xf32, #tpu.memory_space<vmem>>) offsets(%dma_start3A_18 : memref<256xi32, #tpu.memory_space<vmem>>) semaphore(%arg8 : memref<!tpu.dma_semaphore, #tpu.memory_space<semaphore_mem>>)
    %dma_wait3A_22 = arith.constant 256 : i32
    %dma_wait3A_23 = tpu.memref_slice %arg5[%dma_wait3A_22] : memref<1024xi32, #tpu.memory_space<vmem>> -> memref<256xi32, #tpu.memory_space<vmem>>
    %dma_wait3A_24 = arith.constant 0 : i32
    %dma_wait3A_25 = arith.constant 0 : i32
    %dma_wait3A_26 = tpu.memref_slice %arg2[%dma_wait3A_24, %dma_wait3A_25] : memref<1024x128xf32, #tpu.memory_space<hbm>> -> memref<1024x128xf32, #tpu.memory_space<hbm>>
    tpu.wait_indirect_dma semaphore(%arg8 : memref<!tpu.dma_semaphore, #tpu.memory_space<semaphore_mem>>) src(%dma_wait3A_26 : memref<1024x128xf32, #tpu.memory_space<hbm>>) dst(%arg7 : memref<256x128xf32, #tpu.memory_space<vmem>>)
    %add3A_27 = arith.constant 256 : i32
    %add3A_28 = arith.addi %mul3A_2, %add3A_27 : i32
    %dma_start3A_29 = arith.constant 0 : i32
    %dma_start3A_30 = tpu.memref_slice %arg4[%add3A_28, %dma_start3A_29] : memref<32768x128xf32, #tpu.memory_space<hbm>> -> memref<256x128xf32, #tpu.memory_space<hbm>>
    %dma_start3A_31 = arith.constant 0 : i32
    %dma_start3A_32 = tpu.memref_slice %arg4[%add3A_28, %dma_start3A_31] : memref<32768x128xf32, #tpu.memory_space<hbm>> -> memref<256x128xf32, #tpu.memory_space<hbm>>
    tpu.enqueue_dma source(%arg7 : memref<256x128xf32, #tpu.memory_space<vmem>>) target(%dma_start3A_32 : memref<256x128xf32, #tpu.memory_space<hbm>>) target_semaphore(%arg9 : memref<!tpu.dma_semaphore, #tpu.memory_space<semaphore_mem>>)
    %dma_wait3A_33 = arith.constant 0 : i32
    %dma_wait3A_34 = tpu.memref_slice %arg4[%add3A_12, %dma_wait3A_33] : memref<32768x128xf32, #tpu.memory_space<hbm>> -> memref<256x128xf32, #tpu.memory_space<hbm>>
    %dma_wait3A_35 = arith.constant 0 : i32
    %dma_wait3A_36 = tpu.memref_slice %arg4[%add3A_12, %dma_wait3A_35] : memref<32768x128xf32, #tpu.memory_space<hbm>> -> memref<256x128xf32, #tpu.memory_space<hbm>>
    tpu.wait_dma2 semaphore(%arg9 : memref<!tpu.dma_semaphore, #tpu.memory_space<semaphore_mem>>) src(%arg6 : memref<256x128xf32, #tpu.memory_space<vmem>>) dst(%dma_wait3A_36 : memref<256x128xf32, #tpu.memory_space<hbm>>)
    %dma_start3A_37 = arith.constant 512 : i32
    %dma_start3A_38 = tpu.memref_slice %arg5[%dma_start3A_37] : memref<1024xi32, #tpu.memory_space<vmem>> -> memref<256xi32, #tpu.memory_space<vmem>>
    %dma_start3A_39 = arith.constant 0 : i32
    %dma_start3A_40 = arith.constant 0 : i32
    %dma_start3A_41 = tpu.memref_slice %arg2[%dma_start3A_39, %dma_start3A_40] : memref<1024x128xf32, #tpu.memory_space<hbm>> -> memref<1024x128xf32, #tpu.memory_space<hbm>>
    tpu.enqueue_indirect_dma source(%dma_start3A_41 : memref<1024x128xf32, #tpu.memory_space<hbm>>) target(%arg6 : memref<256x128xf32, #tpu.memory_space<vmem>>) offsets(%dma_start3A_38 : memref<256xi32, #tpu.memory_space<vmem>>) semaphore(%arg8 : memref<!tpu.dma_semaphore, #tpu.memory_space<semaphore_mem>>)
    %dma_wait3A_42 = arith.constant 512 : i32
    %dma_wait3A_43 = tpu.memref_slice %arg5[%dma_wait3A_42] : memref<1024xi32, #tpu.memory_space<vmem>> -> memref<256xi32, #tpu.memory_space<vmem>>
    %dma_wait3A_44 = arith.constant 0 : i32
    %dma_wait3A_45 = arith.constant 0 : i32
    %dma_wait3A_46 = tpu.memref_slice %arg2[%dma_wait3A_44, %dma_wait3A_45] : memref<1024x128xf32, #tpu.memory_space<hbm>> -> memref<1024x128xf32, #tpu.memory_space<hbm>>
    tpu.wait_indirect_dma semaphore(%arg8 : memref<!tpu.dma_semaphore, #tpu.memory_space<semaphore_mem>>) src(%dma_wait3A_46 : memref<1024x128xf32, #tpu.memory_space<hbm>>) dst(%arg6 : memref<256x128xf32, #tpu.memory_space<vmem>>)
    %add3A_47 = arith.constant 512 : i32
    %add3A_48 = arith.addi %mul3A_2, %add3A_47 : i32
    %dma_start3A_49 = arith.constant 0 : i32
    %dma_start3A_50 = tpu.memref_slice %arg4[%add3A_48, %dma_start3A_49] : memref<32768x128xf32, #tpu.memory_space<hbm>> -> memref<256x128xf32, #tpu.memory_space<hbm>>
    %dma_start3A_51 = arith.constant 0 : i32
    %dma_start3A_52 = tpu.memref_slice %arg4[%add3A_48, %dma_start3A_51] : memref<32768x128xf32, #tpu.memory_space<hbm>> -> memref<256x128xf32, #tpu.memory_space<hbm>>
    tpu.enqueue_dma source(%arg6 : memref<256x128xf32, #tpu.memory_space<vmem>>) target(%dma_start3A_52 : memref<256x128xf32, #tpu.memory_space<hbm>>) target_semaphore(%arg9 : memref<!tpu.dma_semaphore, #tpu.memory_space<semaphore_mem>>)
    %dma_wait3A_53 = arith.constant 0 : i32
    %dma_wait3A_54 = tpu.memref_slice %arg4[%add3A_28, %dma_wait3A_53] : memref<32768x128xf32, #tpu.memory_space<hbm>> -> memref<256x128xf32, #tpu.memory_space<hbm>>
    %dma_wait3A_55 = arith.constant 0 : i32
    %dma_wait3A_56 = tpu.memref_slice %arg4[%add3A_28, %dma_wait3A_55] : memref<32768x128xf32, #tpu.memory_space<hbm>> -> memref<256x128xf32, #tpu.memory_space<hbm>>
    tpu.wait_dma2 semaphore(%arg9 : memref<!tpu.dma_semaphore, #tpu.memory_space<semaphore_mem>>) src(%arg7 : memref<256x128xf32, #tpu.memory_space<vmem>>) dst(%dma_wait3A_56 : memref<256x128xf32, #tpu.memory_space<hbm>>)
    %dma_start3A_57 = arith.constant 768 : i32
    %dma_start3A_58 = tpu.memref_slice %arg5[%dma_start3A_57] : memref<1024xi32, #tpu.memory_space<vmem>> -> memref<256xi32, #tpu.memory_space<vmem>>
    %dma_start3A_59 = arith.constant 0 : i32
    %dma_start3A_60 = arith.constant 0 : i32
    %dma_start3A_61 = tpu.memref_slice %arg2[%dma_start3A_59, %dma_start3A_60] : memref<1024x128xf32, #tpu.memory_space<hbm>> -> memref<1024x128xf32, #tpu.memory_space<hbm>>
    tpu.enqueue_indirect_dma source(%dma_start3A_61 : memref<1024x128xf32, #tpu.memory_space<hbm>>) target(%arg7 : memref<256x128xf32, #tpu.memory_space<vmem>>) offsets(%dma_start3A_58 : memref<256xi32, #tpu.memory_space<vmem>>) semaphore(%arg8 : memref<!tpu.dma_semaphore, #tpu.memory_space<semaphore_mem>>)
    %dma_wait3A_62 = arith.constant 768 : i32
    %dma_wait3A_63 = tpu.memref_slice %arg5[%dma_wait3A_62] : memref<1024xi32, #tpu.memory_space<vmem>> -> memref<256xi32, #tpu.memory_space<vmem>>
    %dma_wait3A_64 = arith.constant 0 : i32
    %dma_wait3A_65 = arith.constant 0 : i32
    %dma_wait3A_66 = tpu.memref_slice %arg2[%dma_wait3A_64, %dma_wait3A_65] : memref<1024x128xf32, #tpu.memory_space<hbm>> -> memref<1024x128xf32, #tpu.memory_space<hbm>>
    tpu.wait_indirect_dma semaphore(%arg8 : memref<!tpu.dma_semaphore, #tpu.memory_space<semaphore_mem>>) src(%dma_wait3A_66 : memref<1024x128xf32, #tpu.memory_space<hbm>>) dst(%arg7 : memref<256x128xf32, #tpu.memory_space<vmem>>)
    %add3A_67 = arith.constant 768 : i32
    %add3A_68 = arith.addi %mul3A_2, %add3A_67 : i32
    %dma_start3A_69 = arith.constant 0 : i32
    %dma_start3A_70 = tpu.memref_slice %arg4[%add3A_68, %dma_start3A_69] : memref<32768x128xf32, #tpu.memory_space<hbm>> -> memref<256x128xf32, #tpu.memory_space<hbm>>
    %dma_start3A_71 = arith.constant 0 : i32
    %dma_start3A_72 = tpu.memref_slice %arg4[%add3A_68, %dma_start3A_71] : memref<32768x128xf32, #tpu.memory_space<hbm>> -> memref<256x128xf32, #tpu.memory_space<hbm>>
    tpu.enqueue_dma source(%arg7 : memref<256x128xf32, #tpu.memory_space<vmem>>) target(%dma_start3A_72 : memref<256x128xf32, #tpu.memory_space<hbm>>) target_semaphore(%arg9 : memref<!tpu.dma_semaphore, #tpu.memory_space<semaphore_mem>>)
    %dma_wait3A_73 = arith.constant 0 : i32
    %dma_wait3A_74 = tpu.memref_slice %arg4[%add3A_48, %dma_wait3A_73] : memref<32768x128xf32, #tpu.memory_space<hbm>> -> memref<256x128xf32, #tpu.memory_space<hbm>>
    %dma_wait3A_75 = arith.constant 0 : i32
    %dma_wait3A_76 = tpu.memref_slice %arg4[%add3A_48, %dma_wait3A_75] : memref<32768x128xf32, #tpu.memory_space<hbm>> -> memref<256x128xf32, #tpu.memory_space<hbm>>
    tpu.wait_dma2 semaphore(%arg9 : memref<!tpu.dma_semaphore, #tpu.memory_space<semaphore_mem>>) src(%arg6 : memref<256x128xf32, #tpu.memory_space<vmem>>) dst(%dma_wait3A_76 : memref<256x128xf32, #tpu.memory_space<hbm>>)
    %dma_wait3A_77 = arith.constant 0 : i32
    %dma_wait3A_78 = tpu.memref_slice %arg4[%add3A_68, %dma_wait3A_77] : memref<32768x128xf32, #tpu.memory_space<hbm>> -> memref<256x128xf32, #tpu.memory_space<hbm>>
    %dma_wait3A_79 = arith.constant 0 : i32
    %dma_wait3A_80 = tpu.memref_slice %arg4[%add3A_68, %dma_wait3A_79] : memref<32768x128xf32, #tpu.memory_space<hbm>> -> memref<256x128xf32, #tpu.memory_space<hbm>>
    tpu.wait_dma2 semaphore(%arg9 : memref<!tpu.dma_semaphore, #tpu.memory_space<semaphore_mem>>) src(%arg7 : memref<256x128xf32, #tpu.memory_space<vmem>>) dst(%dma_wait3A_80 : memref<256x128xf32, #tpu.memory_space<hbm>>)
    return
  }
}

module attributes {stable_mosaic.version = 14 : i64} {
  func.func @_argmin_body(%arg0: i32, %arg1: memref<1x64x1024xf32, #tpu.memory_space<vmem>>, %arg2: memref<1024x64xf32, #tpu.memory_space<vmem>>, %arg3: memref<1024x1xf32, #tpu.memory_space<vmem>>, %arg4: memref<1x1x1024xi32, #tpu.memory_space<vmem>>) attributes {dimension_semantics = [#tpu.dimension_semantics<arbitrary>], iteration_bounds = array<i64: 32>, scalar_prefetch = 0 : i64, scratch_operands = 0 : i64, tpu.core_type = #tpu.core_type<tc>, window_params = [{transform_indices = @transform_0, window_bounds = array<i64: 1, 64, 1024>}, {pipeline_mode = #tpu.pipeline_mode<synchronous>, transform_indices = @transform_1, window_bounds = array<i64: 1024, 64>}, {pipeline_mode = #tpu.pipeline_mode<synchronous>, transform_indices = @transform_2, window_bounds = array<i64: 1024, 1>}, {transform_indices = @transform_3, window_bounds = array<i64: 1, 1, 1024>}]} {
    %get3A = arith.constant 0 : index
    %get3A_0 = arith.constant 0 : index
    %get3A_1 = vector.load %arg2[%get3A, %get3A_0] : memref<1024x64xf32, #tpu.memory_space<vmem>>, vector<1024x64xf32>
    %get3A_2 = arith.constant 0 : index
    %get3A_3 = arith.constant 0 : index
    %get3A_4 = arith.constant 0 : index
    %get3A_5 = vector.load %arg1[%get3A_2, %get3A_3, %get3A_4] : memref<1x64x1024xf32, #tpu.memory_space<vmem>>, vector<1x64x1024xf32>
    %get3A_6 = vector.shape_cast %get3A_5 : vector<1x64x1024xf32> to vector<64x1024xf32>
    %dot_general3A = arith.constant dense<0.000000e+00> : vector<1024x1024xf32>
    %dot_general3A_7 = tpu.matmul %get3A_1, %get3A_6, %dot_general3A {dimension_numbers = #tpu.dot_dimension_numbers<[1], [0], [0], [1], [0, 0, 1, 1], [], []>, transpose_lhs_hint = false} : vector<1024x64xf32>, vector<64x1024xf32>, vector<1024x1024xf32> -> vector<1024x1024xf32>
    %get3A_8 = arith.constant 0 : index
    %get3A_9 = arith.constant 0 : index
    %get3A_10 = vector.load %arg3[%get3A_8, %get3A_9] : memref<1024x1xf32, #tpu.memory_space<vmem>>, vector<1024x1xf32>
    %add3A = vector.broadcast %get3A_10 : vector<1024x1xf32> to vector<1024x1024xf32>
    %add3A_11 = arith.addf %dot_general3A_7, %add3A : vector<1024x1024xf32>
    %reduce_min3A = arith.constant dense<0x7F800000> : vector<1024xf32>
    %reduce_min3A_12 = vector.multi_reduction <minimumf>, %add3A_11, %reduce_min3A [0] : vector<1024x1024xf32> to vector<1024xf32>
    %broadcast_in_dim3A = vector.shape_cast %reduce_min3A_12 : vector<1024xf32> to vector<1x1024xf32>
    %iota3A = tpu.iota {dimensions = array<i32: 0>} : vector<1024x1024xi32>
    %eq3A = vector.broadcast %broadcast_in_dim3A : vector<1x1024xf32> to vector<1024x1024xf32>
    %eq3A_13 = arith.cmpf oeq, %add3A_11, %eq3A : vector<1024x1024xf32>
    %jit3A = arith.constant 1024 : i32
    %broadcast_in_dim3A_14 = vector.broadcast %jit3A : i32 to vector<1024x1024xi32>
    %select_n3A = arith.select %eq3A_13, %iota3A, %broadcast_in_dim3A_14 : vector<1024x1024xi1>, vector<1024x1024xi32>
    %reduce_min3A_15 = arith.constant dense<2147483647> : vector<1024xi32>
    %reduce_min3A_16 = vector.multi_reduction <minsi>, %select_n3A, %reduce_min3A_15 [0] : vector<1024x1024xi32> to vector<1024xi32>
    %swap3A = arith.constant 0 : index
    %swap3A_17 = arith.constant 0 : index
    %swap3A_18 = arith.constant 0 : index
    %swap3A_19 = vector.load %arg4[%swap3A, %swap3A_17, %swap3A_18] : memref<1x1x1024xi32, #tpu.memory_space<vmem>>, vector<1x1x1024xi32>
    %swap3A_20 = vector.shape_cast %swap3A_19 : vector<1x1x1024xi32> to vector<1024xi32>
    %swap3A_21 = vector.shape_cast %reduce_min3A_16 : vector<1024xi32> to vector<1x1x1024xi32>
    tpu.vector_store %arg4[%swap3A, %swap3A_17, %swap3A_18], %swap3A_21 {strides = array<i32>} : memref<1x1x1024xi32, #tpu.memory_space<vmem>>, vector<1x1x1024xi32>,
    return
  }
  func.func @transform_0(%arg0: i32) -> (i32, i32, i32) {
    %c0_i32 = arith.constant 0 : i32
    %c0_i32_0 = arith.constant 0 : i32
    %c0_i32_1 = arith.constant 0 : i32
    return %arg0, %c0_i32, %c0_i32_0 : i32, i32, i32
  }
  func.func @transform_1(%arg0: i32) -> (i32, i32) {
    %c0_i32 = arith.constant 0 : i32
    %c0_i32_0 = arith.constant 0 : i32
    %c0_i32_1 = arith.constant 0 : i32
    return %c0_i32, %c0_i32_0 : i32, i32
  }
  func.func @transform_2(%arg0: i32) -> (i32, i32) {
    %c0_i32 = arith.constant 0 : i32
    %c0_i32_0 = arith.constant 0 : i32
    %c0_i32_1 = arith.constant 0 : i32
    return %c0_i32, %c0_i32_0 : i32, i32
  }
  func.func @transform_3(%arg0: i32) -> (i32, i32, i32) {
    %c0_i32 = arith.constant 0 : i32
    %c0_i32_0 = arith.constant 0 : i32
    %c0_i32_1 = arith.constant 0 : i32
    return %arg0, %c0_i32, %c0_i32_0 : i32, i32, i32
  }
}

</mosaic_0001>

<sc_bundles>
// kernel: kernel.4.cloned.1.call-start
scs
__scs_entry_jumppad:
0x0: {  	(pc) =	sbr.rel $0x88, $3  }
0x1: {  	(tag) =	ssettag $0x0;
	lr =	simm.s32 $0x1  }
0x2: {  	[smem:$0x3F9F] =	sst lr;
	_ =	strace $0xD0000000  }
0x3: {  	_ = 	snop  }
0x4: {  	_ = 	snop  }
0x5: {  	_ = 	snop  }
0x6: {  	_ = 	snop  }
0x7: {  	_ = 	snop  }
__scs_overlays_trampoline_lowered:
0x8: {  	[smem:$0x3FAE] =	sst s0  }
0x9: {  	[smem:$0x3FAF] =	sst s1  }
0xa: {  	[smem:$0x3FB0] =	sst s2  }
0xb: {  	[smem:$0x3FB1] =	sst s3  }
0xc: {  	[smem:$0x3FB2] =	sst s4  }
0xd: {  	[smem:$0x3FB3] =	sst s5  }
0xe: {  	[smem:$0x3FB4] =	sst s6  }
0xf: {  	[smem:$0x3FB5] =	sst s7  }
0x10: {  	[smem:$0x3FB6] =	sst s8  }
0x11: {  	[smem:$0x3FB7] =	sst s9;
	s0 =	simm.s32 @!p0 $0x0  }
0x12: {  	s1 =	sld [smem:$0x3F9D];
	s0 =	simm.s32 @p0 $0x1  }
0x13: {  	[smem:$0x3FB8] =	sst s0;
	s0 =	simm.s32 @!p1 $0x0  }
0x14: {  	s2 =	sld [smem:$0x3F9C];
	s0 =	simm.s32 @p1 $0x1  }
0x15: {  	[smem:$0x3FB9] =	sst s0;
	s0 =	simm.s32 @!p2 $0x0  }
0x16: {  	s3 =	sld [smem:$0x3FDB];
	s0 =	simm.s32 @p2 $0x1  }
0x17: {  	s4 =	simm.s32 $0x1BF5;
	[smem:$0x3FBB] =	sst s0  }
0x18: {  	s0 =	sld [smem:$0x3F9E];
	_ =	swait.ge [sflag:s4], $0x0  }
0x19: {  	s7 =	sld [smem:$0x3F9F]  }
0x1a: {  	s8 =	sadd.s32 $0xFFFFE003, lr  }
0x1b: {  	s9 =	sadd.s32 $0xFFFFFEF7, lr;
	s5 =	simm.s32 $0xFFFFFFFF;
	p2 =	slt.u32 s8, $0xFFFFF086  }
0x1c: {  	p1 =	slt.u32 s9, $0xF7A;
	s5 =	simm.s32 @!p2 $0x0  }
0x1d: {  	s5 =	simm.s32 @p1 $0x1;
	p0 =	seq.s32 s7, s2  }
0x1e: {  	s7 =	smul.u32 @!p0 $0xF7A, s2;
	p2 =	seq.s32 @!p0 s5, $0x0  }
0x1f: {  	s9 =	smul.u32 $0xF7A, s1;
	s8 =	simm.s32 @!p0 $0x1BF5;
	p2 =	por !p2, p0  }
0x20: {  	[sflag:s8] =	ssyncset.s32 @!p0 $0xFFFFF086;
	s6 =	sadd.s32 @!p0 s3, s7;
	s7 =	simm.s32 @!p0 $0x108  }
0x21: {  	s3 =	sadd.s32 s3, s9;
	s6 =	sadd.s32 @!p0 $0x88, s6;
	s7 =	simm.s32 @p2 $0x1082  }
0x22: {  	[simem:s7], [sflag:s8] =	dma.local @!p0 [hbm:s6], $0xF7A  }
0x23: {  	s9 =	sor.u32 $0xD0000000, s2;
	s6 =	simm.s32 $0x108;
	_ =	swait.ge @!p0 [sflag:s8], $0x0  }
0x24: {  	s3 =	sadd.s32 $0x88, s3;
	s6 =	simm.s32 @!p1 $0x1082;
	[sflag:s4] =	ssyncset.s32 $0xFFFFF086  }
0x25: {  	[simem:s6], [sflag:s4] =	dma.local [hbm:s3], $0xF7A  }
0x26: {  	[smem:$0x3F9F] =	sst s1;
	(tag) =	ssettag s2;
	_ =	strace s9  }
0x27: {  	s1 =	sld [smem:$0x3FAF]  }
0x28: {  	s2 =	sld [smem:$0x3FB0]  }
0x29: {  	s4 =	sld [smem:$0x3FB2]  }
0x2a: {  	p0 =	seq.s32 s5, $0x0;
	s5 =	sld [smem:$0x3FB3]  }
0x2b: {  	s6 =	sld [smem:$0x3FB4]  }
0x2c: {  	s7 =	sld [smem:$0x3FB5]  }
0x2d: {  	s3 =	simm.s32 $0x108;
	s8 =	sld [smem:$0x3FB6]  }
0x2e: {  	s3 =	simm.s32 @!p0 $0x1082;
	s9 =	sld [smem:$0x3FB7]  }
0x2f: {  	lr =	sadd.s32 s0, s3;
	s0 =	sld [smem:$0x3FAE]  }
0x30: {  	s3 =	sld [smem:$0x3FB1]  }
0x31: {  	[smem:$0x3FBA] =	sst s10  }
0x32: {  	s10 =	sld [smem:$0x3FB8];
	_ =	sdelay $0x3  }
0x33: {  	p0 =	seq.s32 s10, $0x1;
	s10 =	sld [smem:$0x3FBA];
	_ =	sdelay $0x3  }
0x34: {  	[smem:$0x3FBA] =	sst s10  }
0x35: {  	s10 =	sld [smem:$0x3FB9];
	_ =	sdelay $0x3  }
0x36: {  	p1 =	seq.s32 s10, $0x1;
	s10 =	sld [smem:$0x3FBA];
	_ =	sdelay $0x3  }
0x37: {  	[smem:$0x3FBA] =	sst s10  }
0x38: {  	s10 =	sld [smem:$0x3FBB]  }
0x39: {  	_ = 	snop;
	(pc) =	sbr.ind lr, $3  }
0x3a: {  	_ = 	snop  }
0x3b: {  	_ = 	snop  }
0x3c: {  	p2 =	seq.s32 s10, $0x1;
	s10 =	sld [smem:$0x3FBA]  }
0x3d: {  	_ =	shalt  }
0x3e: {  	_ =	shalt  }
0x3f: {  	_ =	shalt  }
0x40: {  	_ =	shalt  }
0x41: {  	_ =	shalt  }
0x42: {  	_ =	shalt  }
0x43: {  	_ =	shalt  }
0x44: {  	_ =	shalt  }
0x45: {  	_ =	shalt  }
0x46: {  	_ =	shalt  }
0x47: {  	_ =	shalt  }
0x48: {  	_ =	shalt  }
0x49: {  	_ =	shalt  }
0x4a: {  	_ =	shalt  }
0x4b: {  	_ =	shalt  }
0x4c: {  	_ =	shalt  }
0x4d: {  	_ =	shalt  }
0x4e: {  	_ =	shalt  }
0x4f: {  	_ =	shalt  }
0x50: {  	_ =	shalt  }
0x51: {  	_ =	shalt  }
0x52: {  	_ =	shalt  }
0x53: {  	_ =	shalt  }
0x54: {  	_ =	shalt  }
0x55: {  	_ =	shalt  }
0x56: {  	_ =	shalt  }
0x57: {  	_ =	shalt  }
0x58: {  	_ =	shalt  }
0x59: {  	_ =	shalt  }
0x5a: {  	_ =	shalt  }
0x5b: {  	_ =	shalt  }
0x5c: {  	_ =	shalt  }
0x5d: {  	_ =	shalt  }
0x5e: {  	_ =	shalt  }
0x5f: {  	_ =	shalt  }
0x60: {  	_ =	shalt  }
0x61: {  	_ =	shalt  }
0x62: {  	_ =	shalt  }
0x63: {  	_ =	shalt  }
0x64: {  	_ =	shalt  }
0x65: {  	_ =	shalt  }
0x66: {  	_ =	shalt  }
0x67: {  	_ =	shalt  }
0x68: {  	_ =	shalt  }
0x69: {  	_ =	shalt  }
0x6a: {  	_ =	shalt  }
0x6b: {  	_ =	shalt  }
0x6c: {  	_ =	shalt  }
0x6d: {  	_ =	shalt  }
0x6e: {  	_ =	shalt  }
0x6f: {  	_ =	shalt  }
0x70: {  	_ =	shalt  }
0x71: {  	_ =	shalt  }
0x72: {  	_ =	shalt  }
0x73: {  	_ =	shalt  }
0x74: {  	_ =	shalt  }
0x75: {  	_ =	shalt  }
0x76: {  	_ =	shalt  }
0x77: {  	_ =	shalt  }
0x78: {  	_ =	shalt  }
0x79: {  	_ =	shalt  }
0x7a: {  	_ =	shalt  }
0x7b: {  	_ =	shalt  }
0x7c: {  	_ =	shalt  }
0x7d: {  	_ =	shalt  }
0x7e: {  	_ =	shalt  }
0x7f: {  	_ =	shalt  }
0x80: {  	_ =	shalt  }
0x81: {  	_ =	shalt  }
0x82: {  	_ =	shalt  }
0x83: {  	_ =	shalt  }
0x84: {  	_ =	shalt  }
0x85: {  	_ =	shalt  }
0x86: {  	_ =	shalt  }
0x87: {  	_ =	shalt  }
.Lfunc_end0:
.L_simem_size_0:
called_computation_lowered:
.L_overlay_start_0:
0x88: {  	s2 =	sld [smem:$0x3FD9]  }
0x89: {  	s3 =	sld [smem:$0x3FFE];
	_ =	sdelay $0x1  }
0x8a: {  	s1 =	srdreg.scid  }
0x8b: {  	s0 =	sand.u32 $0x1, s1  }
0x8c: {  	s14 =	sshll.u32 s0, $0xA;
	s2 =	sadd.s32 s3, s2  }
0x8d: {  	s2 =	sadd.s32 s2, s14  }
0x8e: {  	[smem:$0x3FC6] =	sst s2  }
0x8f: {  	_ = 	snop  }
0x90: {  	s2 =	sld [smem:$0x3FD0];
	_ =	sdelay $0x2  }
0x91: {  	s15 =	simm.s32 $0xA;
	s4 =	simm.s32 $0x10  }
0x92: {  	[smem:s4], [sflag:s15] =	dma.local [hbm:s2], $0x1  }
0x93: {  	_ =	swait.eq [sflag:s15], $0x1  }
0x94: {  	[sflag:s15] =	ssyncset.done $0x0  }
0x95: {  	[sflag:s15] =	ssyncadd.s32 $0xFFFFFFFF  }
0x96: {  	s16 =	sld [smem:$0x11];
	(tm) =	ssettm $0x1  }
0x97: {  	s17 =	sld [smem:$0x3FFB];
	_ =	sdelay $0x3  }
0x98: {  	_ =	strace s17  }
0x99: {  	s3 =	sld [smem:$0x3FFC];
	_ =	sdelay $0x3  }
0x9a: {  	_ =	strace s3  }
0x9b: {  	s3 =	sld [smem:$0x3FFD];
	_ =	sdelay $0x3  }
0x9c: {  	_ =	strace s3  }
0x9d: {  	_ =	strace $0x8FFFFFFF  }
0x9e: {  	s18 =	sld [smem:$0x3FDB];
	_ =	sdelay $0x1  }
0x9f: {  	s19 =	simm.s32 $_scs_section_size  }
0xa0: {  	s5 =	simm.s32 $_size__tile_overlayer_lowered;
	s6 =	simm.s32 $_tile_overlayer_lowered  }
0xa1: {  	s22 =	simm.s32 $0x1BFF;
	s21 =	sshll.u32 s6, $0x1;
	s3 =	sadd.s32 s19, s18  }
0xa2: {  	s7 =	simm.s32 $0x0;
	s20 =	sshll.u32 s5, $0x1;
	s5 =	sadd.s32 s21, s3  }
0xa3: {  	[timem:s7], [sflag:s22] =	dma.local [hbm:s5], s20  }
0xa4: {  	_ =	swait.ge [sflag:s22], s20  }
0xa5: {  	s4 =	ssub.s32 $0x0, s20;
	[sflag:s22] =	ssyncset.done $0x0  }
0xa6: {  	[sflag:s22] =	ssyncadd.s32 s4;
	_ =	sdelay $0x1  }
0xa7: {  	s23 =	simm.s32 $0x1B8B  }
0xa8: {  	_ =	swait.ge [sflag:s23], $0x1  }
0xa9: {  	[sflag:s23] =	ssyncset.done $0x0  }
0xaa: {  	s25 =	simm.s32 $0x1B8E;
	s24 =	sld [smem:$0x3FFE];
	[sflag:s23] =	ssyncadd.s32 $0xFFFFFFFF  }
0xab: {  	s26 =	simm.s32 $execute0_lowered;
	[smem:$0x3FD2] =	sst s25  }
0xac: {  	s5 =	sshll.u32 s26, $0x1;
	_ =	strace $0x80000046;
	[dreg:$0x1] =	wrdreg $0xFFFFFFFF  }
0xad: {  	s28 =	simm.s32 $_size_execute0_lowered;
	s3 =	sadd.s32 s3, s5;
	[dreg:$0x0] =	wrdreg $0x0  }
0xae: {  	s5 =	sshll.u32 s28, $0x1;
	[dreg:$0x2] =	wrdreg s3  }
0xaf: {  	[dreg:$0x3] =	wrdreg s5  }
0xb0: {  	[dreg:$0x4] =	wrdreg $0xC0  }
0xb1: {  	_ =	task [dreg:s7], $0x5FFFF  }
0xb2: {  	[dreg:$0x1] =	wrdreg $0xFFFFFFFF  }
0xb3: {  	[dreg:$0x0] =	wrdreg $0x60  }
0xb4: {  	[dreg:$0x2] =	wrdreg s24  }
0xb5: {  	[dreg:$0x3] =	wrdreg s16  }
0xb6: {  	[dreg:$0x4] =	wrdreg $0x9  }
0xb7: {  	_ =	task.clear_ibuf [dreg:s7], $0x5FFFF;
	_ =	strace $0x90000046  }
0xb8: {  	s29 =	simm.s32 $0x9;
	_ =	strace $0x80000048  }
0xb9: {  	_ =	swait.ge [sflag:s29], $0x1  }
0xba: {  	[sflag:s29] =	ssyncadd.s32 $0xFFFFFFFF  }
0xbb: {  	_ =	strace $0x90000048  }
0xbc: {  	_ =	sfence  }
0xbd: {  	s30 =	sld [smem:$0x0];
	_ =	sdelay $0x2  }
0xbe: {  	s31 =	sshll.u32 s1, $0xD;
	s1 =	sshrl.u32 s1, $0x2  }
0xbf: {  	s3 =	sand.u32 $0x4000, s31;
	s1 =	sadd.s32 s1, s30  }
0xc0: {  	s0 =	sor.u32 s3, s0;
	s1 =	sshll.u32 s1, $0x11  }
0xc1: {  	s0 =	sor.u32 s1, s0  }
0xc2: {  	s0 =	sadd.s32 $0x8F2B, s0  }
0xc3: {  	[sflag:s0] =	ssyncadd.remote.s32 $0x1  }
0xc4: {  	_ =	sfence.sel $0xFFFF  }
0xc5: {  	[dreg:$0x0] =	wrdreg $0xFFFFFFFF;
	(pc) =	sbr.abs _section_cstart, $3  }
0xc6: {  	[dreg:$0x1] =	wrdreg $0xFFFFFFFF  }
0xc7: {  	_ =	task.clear_ibuf [dreg:s7], $0x2FFFF;
	_ =	strace $0x9FFFFFFF  }
0xc8: {  	(tm) =	ssettm $0x7FFFFFFF  }
0xc9: {  	_ =	shalt  }
tec
execute0_lowered:
.L_overlay_start_1:
0x0: {  	(tag) =	ssettag $0x1  }
0x1: {  	s1 =	srdreg.scid  }
0x2: {  	s0 =	stileid.u32;
	s16 =	sand.u32 $0x1, s1  }
0x3: {  	s31 =	sshll.u32 s0, $0xB;
	s3 =	sshll.u32 s16, $0xA  }
0x4: {  	s2 =	rddreg [dreg:$0x0];
	s10 =	sor.u32 s3, s31  }
0x5: {  	s9 =	rddreg [dreg:$0x1];
	s3 =	simm.s32 $0x0;
	s4 =	sshrl.u32 s10, $0x3  }
0x6: {  	s5 =	simm.s32 $0x3;
	[smem:$0x7FF] =	sst s3;
	s4 =	sadd.s32 s4, s2  }
0x7: {  	s1 =	rddreg [dreg:$0x2];
	_ =	strace $0x80000047;
	s4 =	sadd.s32 $0x4000, s4  }
0x8: {  	[tilespmem:s3], [sflag:$0x3] =	stream.linear.gather [hbm4b:s4+s3], $0x400, $0x38;
	[tilespmem:$0x10400] =	vst v63  }
0x9: {  	_ =	swait.ge [sflag:s5], $0x400  }
0xa: {  	s6 =	simm.s32 $0x100;
	[sflag:s5] =	ssyncset.done $0x0  }
0xb: {  	s7 =	simm.s32 $0x400;
	s8 =	simm.s32 $0x1;
	[sflag:s5] =	ssyncadd.s32 $0xFFFFFC00  }
0xc: {  	[tilespmem:s7], [sflag:$0x1] =	stream.indirect.gather [hbm4b:s2+s6], $0x80, s3, s6, $0xb8;
	[tilespmem:$0x10400] =	vst v63  }
0xd: {  	_ =	swait.ge [sflag:s8], $0x8000  }
0xe: {  	s10 =	sshll.u32 s10, $0x4;
	[sflag:s8] =	ssyncset.done $0x0  }
0xf: {  	s9 =	sadd.s32 s9, s10;
	[sflag:s8] =	ssyncadd.s32 $0xFFFF8000  }
0x10: {  	[hbm4b:s9+s3] =	stream.linear.scatter [tilespmem:s7], [sflag:$0x2], $0x8000, $0x38;
	[tilespmem:$0x10400] =	vst v63  }
0x11: {  	s10 =	simm.s32 $0x8400  }
0x12: {  	[tilespmem:s10], [sflag:$0x1] =	stream.indirect.gather [hbm4b:s2+s6], $0x80, s6, s6, $0xb8;
	[tilespmem:$0x10400] =	vst v63  }
0x13: {  	_ =	swait.ge [sflag:s8], $0x8000  }
0x14: {  	[sflag:s8] =	ssyncset.done $0x0  }
0x15: {  	s11 =	simm.s32 $0x2;
	s12 =	sadd.s32 $0x1000, s9;
	[sflag:s8] =	ssyncadd.s32 $0xFFFF8000  }
0x16: {  	[hbm4b:s12+s3] =	stream.linear.scatter [tilespmem:s10], [sflag:$0x2], $0x8000, $0x38;
	[tilespmem:$0x10400] =	vst v63  }
0x17: {  	_ =	swait.ge [sflag:s11], $0x8000  }
0x18: {  	[sflag:s11] =	ssyncset.done $0x0  }
0x19: {  	s13 =	simm.s32 $0x200;
	[sflag:s11] =	ssyncadd.s32 $0xFFFF8000  }
0x1a: {  	[tilespmem:s7], [sflag:$0x1] =	stream.indirect.gather [hbm4b:s2+s6], $0x80, s13, s6, $0xb8;
	[tilespmem:$0x10400] =	vst v63  }
0x1b: {  	_ =	swait.ge [sflag:s8], $0x8000  }
0x1c: {  	[sflag:s8] =	ssyncset.done $0x0  }
0x1d: {  	s14 =	sadd.s32 $0x2000, s9;
	[sflag:s8] =	ssyncadd.s32 $0xFFFF8000  }
0x1e: {  	[hbm4b:s14+s3] =	stream.linear.scatter [tilespmem:s7], [sflag:$0x2], $0x8000, $0x38;
	[tilespmem:$0x10400] =	vst v63  }
0x1f: {  	_ =	swait.ge [sflag:s11], $0x8000  }
0x20: {  	s17 =	ssub.s32 $0x2, s16;
	[sflag:s11] =	ssyncset.done $0x0  }
0x21: {  	s15 =	simm.s32 $0x300;
	s18 =	sshrl.u32 s17, $0x1;
	[sflag:s11] =	ssyncadd.s32 $0xFFFF8000  }
0x22: {  	[tilespmem:s10], [sflag:$0x1] =	stream.indirect.gather [hbm4b:s2+s6], $0x80, s15, s6, $0xb8;
	[tilespmem:$0x10400] =	vst v63  }
0x23: {  	s17 =	ssub.s32 s17, s18;
	_ =	swait.ge [sflag:s8], $0x8000  }
0x24: {  	s17 =	smax.u32 s17, $0x1;
	[sflag:s8] =	ssyncset.done $0x0  }
0x25: {  	s16 =	sadd.s32 $0x3000, s9;
	p0 =	sne.s32 s17, $0x1;
	[sflag:s8] =	ssyncadd.s32 $0xFFFF8000  }
0x26: {  	[hbm4b:s16+s3] =	stream.linear.scatter [tilespmem:s10], [sflag:$0x2], $0x8000, $0x38;
	[tilespmem:$0x10400] =	vst v63  }
.Ltmp0:
0x27: {  	_ =	swait.ge [sflag:s11], $0x8000;
	(pc) =	sbr.rel @!p0 .LBB2_2-.Ltmp0, $4  }
0x28: {  	[sflag:s11] =	ssyncset.done $0x0  }
0x29: {  	[sflag:s11] =	ssyncadd.s32 $0xFFFF8000  }
0x2a: {  	_ =	swait.ge [sflag:s11], $0x8000  }
0x2b: {  	s17 =	sadd.s32 $0xFFFFFFFF, s17;
	[sflag:s11] =	ssyncset.done $0x0  }
.LBB2_1:
0x2c: {  	p0 =	sne.s32 s17, $0x1;
	s17 =	sadd.s32 $0xFFFFFFFF, s17;
	[sflag:s11] =	ssyncadd.s32 $0xFFFF8000  }
0x2d: {  	[tilespmem:s3], [sflag:$0x3] =	stream.linear.gather [hbm4b:s4+s3], $0x400, $0x38;
	[tilespmem:$0x10400] =	vst v63  }
0x2e: {  	_ =	swait.ge [sflag:s5], $0x400  }
0x2f: {  	[sflag:s5] =	ssyncset.done $0x0  }
0x30: {  	[sflag:s5] =	ssyncadd.s32 $0xFFFFFC00  }
0x31: {  	[tilespmem:s7], [sflag:$0x1] =	stream.indirect.gather [hbm4b:s2+s6], $0x80, s3, s6, $0xb8;
	[tilespmem:$0x10400] =	vst v63  }
0x32: {  	_ =	swait.ge [sflag:s8], $0x8000  }
0x33: {  	[sflag:s8] =	ssyncset.done $0x0  }
0x34: {  	[sflag:s8] =	ssyncadd.s32 $0xFFFF8000  }
0x35: {  	[hbm4b:s9+s3] =	stream.linear.scatter [tilespmem:s7], [sflag:$0x2], $0x8000, $0x38;
	[tilespmem:$0x10400] =	vst v63  }
0x36: {  	_ = 	snop  }
0x37: {  	[tilespmem:s10], [sflag:$0x1] =	stream.indirect.gather [hbm4b:s2+s6], $0x80, s6, s6, $0xb8;
	[tilespmem:$0x10400] =	vst v63  }
0x38: {  	_ =	swait.ge [sflag:s8], $0x8000  }
0x39: {  	[sflag:s8] =	ssyncset.done $0x0  }
0x3a: {  	[sflag:s8] =	ssyncadd.s32 $0xFFFF8000  }
0x3b: {  	[hbm4b:s12+s3] =	stream.linear.scatter [tilespmem:s10], [sflag:$0x2], $0x8000, $0x38;
	[tilespmem:$0x10400] =	vst v63  }
0x3c: {  	_ =	swait.ge [sflag:s11], $0x8000  }
0x3d: {  	[sflag:s11] =	ssyncset.done $0x0  }
0x3e: {  	[sflag:s11] =	ssyncadd.s32 $0xFFFF8000  }
0x3f: {  	[tilespmem:s7], [sflag:$0x1] =	stream.indirect.gather [hbm4b:s2+s6], $0x80, s13, s6, $0xb8;
	[tilespmem:$0x10400] =	vst v63  }
0x40: {  	_ =	swait.ge [sflag:s8], $0x8000  }
0x41: {  	[sflag:s8] =	ssyncset.done $0x0  }
0x42: {  	[sflag:s8] =	ssyncadd.s32 $0xFFFF8000  }
0x43: {  	[hbm4b:s14+s3] =	stream.linear.scatter [tilespmem:s7], [sflag:$0x2], $0x8000, $0x38;
	[tilespmem:$0x10400] =	vst v63  }
0x44: {  	_ =	swait.ge [sflag:s11], $0x8000  }
0x45: {  	[sflag:s11] =	ssyncset.done $0x0  }
0x46: {  	[sflag:s11] =	ssyncadd.s32 $0xFFFF8000  }
0x47: {  	[tilespmem:s10], [sflag:$0x1] =	stream.indirect.gather [hbm4b:s2+s6], $0x80, s15, s6, $0xb8;
	[tilespmem:$0x10400] =	vst v63  }
0x48: {  	_ =	swait.ge [sflag:s8], $0x8000  }
0x49: {  	[sflag:s8] =	ssyncset.done $0x0  }
0x4a: {  	[sflag:s8] =	ssyncadd.s32 $0xFFFF8000  }
0x4b: {  	[hbm4b:s16+s3] =	stream.linear.scatter [tilespmem:s10], [sflag:$0x2], $0x8000, $0x38;
	[tilespmem:$0x10400] =	vst v63  }
.Ltmp1:
0x4c: {  	_ =	swait.ge [sflag:s11], $0x8000;
	(pc) =	sbr.rel @p0 .LBB2_1-.Ltmp1, $4  }
0x4d: {  	[sflag:s11] =	ssyncset.done $0x0  }
0x4e: {  	[sflag:s11] =	ssyncadd.s32 $0xFFFF8000  }
0x4f: {  	_ =	swait.ge [sflag:s11], $0x8000  }
0x50: {  	[sflag:s11] =	ssyncset.done $0x0  }
.LBB2_2:
0x51: {  	[sflag:s11] =	ssyncadd.s32 $0xFFFF8000  }
0x52: {  	_ =	sfence.sel $0x180000  }
0x53: {  	[bflag:$0x0] =	sbarrier.arrive $0xFFFF  }
0x54: {  	p0 =	sne.s32 s0, $0x0;
	_ =	strace $0x90000047  }
0x55: {  	s0 =	sadd.s32 @!p0 $0x100000, s1;
	[bflag:$0x2] =	sbarrier.arrive $0xFFFF  }
0x56: {  	[sflag:s0] =	ssyncadd.tile.s32 @!p0 $0x1;
	_ =	shalt  }
.Lfunc_end2:
_tile_overlayer_lowered:
.L_overlay_start_2:
0x57: {  	(tag) =	ssettag $0x2  }
0x58: {  	s0 =	rddreg [dreg:$0x0];
	s2 =	stileid.u32  }
0x59: {  	s1 =	rddreg [dreg:$0x1];
	p0 =	sne.s32 s2, $0x0  }
0x5a: {  	s3 =	rddreg [dreg:$0x2];
	[bflag:$0x3] =	sbarrier.arrive $0xFFFF;
	s2 =	simm.s32 @!p0 $0x1C03  }
0x5b: {  	[timem:s3], [sflag:s2] =	dma.local @!p0 [hbm:s0], s1  }
0x5c: {  	s0 =	simm.s32 @!p0 $0x3  }
0x5d: {  	_ =	swait.ge @!p0 [sflag:s0], s1  }
0x5e: {  	s1 =	ssub.s32 @!p0 $0x0, s1;
	[sflag:s0] =	ssyncset.done @!p0 $0x0  }
0x5f: {  	[sflag:s0] =	ssyncadd.s32 @!p0 s1  }
0x60: {  	[bflag:$0x3] =	sbarrier.arrive $0xFFFF  }
0x61: {  	_ =	shalt  }

</sc_bundles>
